<compile_context>
chip_gen: v7x
topology: tpu7x:2x2x1
jax: 0.10.2.dev20260603
libtpu: 0.0.44.dev20260713+nightly
codegen_flags: <defaults>
</compile_context>

<pallas_src>
import functools

import jax
import jax.numpy as jnp
from jax import lax
from jax.experimental import pallas as pl
from jax.experimental.pallas import tpu as pltpu
from jax.experimental.pallas import tpu_sc as plsc

B_ROWS = 4096
SEQ = 200
D = 64
SCALE = 8.0

B_TOTAL = B_ROWS * SEQ
NC = 2
NS = 16
NW = NC * NS
B_PER_W = B_TOTAL // NW

IDX_MINOR = 128
CHUNK = 1024
N_GATH = CHUNK // IDX_MINOR
N_CHUNKS = B_PER_W // CHUNK

_mesh = plsc.VectorSubcoreMesh(core_axis_name="c", subcore_axis_name="s")


@functools.partial(
    pl.kernel,
    mesh=_mesh,
    out_type=jax.ShapeDtypeStruct((B_TOTAL, D), jnp.float32),
    scratch_types=[
        pltpu.VMEM((N_GATH, IDX_MINOR), jnp.int32),
        pltpu.VMEM((CHUNK, D), jnp.float32),
        pltpu.SemaphoreType.DMA,
    ],
    compiler_params=pltpu.CompilerParams(use_tc_tiling_on_sc=False),
)
def _embed(idx_hbm, tab_hbm, out_hbm, idx_v, rows_v, sem):
    wid = lax.axis_index("s") * NC + lax.axis_index("c")
    base = wid * B_PER_W

    def chunk_body(g, carry):
        off = base + g * CHUNK
        idx_off = pl.multiple_of(off // IDX_MINOR, 8)
        pltpu.sync_copy(idx_hbm.at[pl.ds(idx_off, N_GATH)], idx_v)
        for k in range(N_GATH):
            pltpu.async_copy(
                tab_hbm.at[idx_v.at[k]],
                rows_v.at[pl.ds(k * IDX_MINOR, IDX_MINOR)],
                sem,
            )
        for k in range(N_GATH):
            pltpu.make_async_copy(
                tab_hbm.at[idx_v.at[k]],
                rows_v.at[pl.ds(k * IDX_MINOR, IDX_MINOR)],
                sem,
            ).wait()
        def scale_row(r, c):
            for j in range(D // 16):
                sl = pl.ds(j * 16, 16)
                rows_v[r, sl] = rows_v[r, sl] * SCALE
            return c

        lax.fori_loop(0, CHUNK, scale_row, 0, unroll=2)
        pltpu.sync_copy(rows_v, out_hbm.at[pl.ds(off, CHUNK)])
        return carry

    lax.fori_loop(0, N_CHUNKS, chunk_body, 0)


def kernel(x, lut):
    idx2 = x.reshape(B_TOTAL // IDX_MINOR, IDX_MINOR).astype(jnp.int32)
    out = _embed(idx2, lut)
    return out.reshape(B_ROWS, SEQ, D)

# --- scband reference (transcript-rebuilt; emitter-appended) ---
"""Pipeline reference for scband-word-embedding-58832462021371 (READ-ONLY COPY).

The authoritative reference and input builder live on the scoring server;
editing this copy changes nothing except your own understanding.
"""

import jax, jax.numpy as jnp
import numpy as np
import math

VOCAB = 1000000
N_UNITS = 64

def setup_inputs(seed: int = 0) -> dict:
    key = jax.random.key(seed)
    k_idx, k_tab = jax.random.split(key)
    x = jax.random.randint(k_idx, (4096, 200), 0, VOCAB, dtype=jnp.int64 if jax.config.jax_enable_x64 else jnp.int32)
    lut = jax.random.normal(k_tab, (VOCAB, N_UNITS), dtype=jnp.float32)
    return {"x": x, "lut": lut}

def reference(x, lut):
    # WordEmbedding.forward: self.lut(x) * sqrt(n_units)
    emb = jnp.take(lut, x, axis=0)
    return emb * math.sqrt(N_UNITS)

if __name__ == "__main__":
    import jax
    _d = setup_inputs()
    print(jax.jit(kernel)(*tuple(_d.values())))

</pallas_src>

<mosaic_0001>
#map = affine_map<(d0, d1) -> (0, 0)>
module attributes {stable_mosaic.version = 14 : i64} {
  func.func @_embed(%arg0: i32, %arg1: i32, %arg2: memref<6400x128xi32, #tpu.memory_space<hbm>>, %arg3: memref<1000000x64xf32, #tpu.memory_space<hbm>>, %arg4: memref<819200x64xf32, #tpu.memory_space<hbm>>, %arg5: memref<8x128xi32, #tpu.memory_space<vmem>>, %arg6: memref<1024x64xf32, #tpu.memory_space<vmem>>, %arg7: memref<!tpu.dma_semaphore, #tpu.memory_space<semaphore_mem>>) attributes {dimension_semantics = [#tpu.dimension_semantics<core_parallel>, #tpu.dimension_semantics<subcore_parallel>], iteration_bounds = array<i64: 2, 16>, scalar_prefetch = 0 : i64, scratch_operands = 3 : i64, tpu.core_type = #tpu.core_type<sc_vector_subcore>, window_params = [{transform_indices = #map}, {transform_indices = #map}, {transform_indices = #map}]} {
    %mul3A = arith.constant 2 : i32
    %mul3A_0 = arith.muli %arg1, %mul3A : i32
    %add3A = arith.addi %mul3A_0, %arg0 : i32
    %mul3A_1 = arith.constant 25600 : i32
    %mul3A_2 = arith.muli %add3A, %mul3A_1 : i32
    %scan3A = arith.constant 0 : i32
    %scan3A_3 = arith.constant 0 : i32
    %scan3A_4 = arith.constant 25 : i32
    %scan3A_5 = arith.addi %scan3A_3, %scan3A_4 : i32
    %scan3A_6 = arith.constant 1 : i32
    scf.for %scan3A_8 = %scan3A_3 to %scan3A_5 step %scan3A_6  : i32 {
      %mul3A_9 = arith.constant 1024 : i32
      %mul3A_10 = arith.muli %scan3A_8, %mul3A_9 : i32
      %add3A_11 = arith.addi %mul3A_2, %mul3A_10 : i32
      %jit3A = arith.constant 128 : i32
      %div3A = arith.divsi %add3A_11, %jit3A : i32
      %sign3A = arith.constant 0 : i32
      %sign3A_12 = arith.cmpi sgt, %add3A_11, %sign3A : i32
      %sign3A_13 = arith.extui %sign3A_12 : i1 to i32
      %sign3A_14 = arith.constant 0 : i32
      %sign3A_15 = arith.cmpi slt, %add3A_11, %sign3A_14 : i32
      %sign3A_16 = arith.extui %sign3A_15 : i1 to i32
      %sign3A_17 = arith.subi %sign3A_13, %sign3A_16 : i32
      %sign3A_18 = arith.constant 0 : i32
      %sign3A_19 = arith.cmpi sgt, %jit3A, %sign3A_18 : i32
      %sign3A_20 = arith.extui %sign3A_19 : i1 to i32
      %sign3A_21 = arith.constant 0 : i32
      %sign3A_22 = arith.cmpi slt, %jit3A, %sign3A_21 : i32
      %sign3A_23 = arith.extui %sign3A_22 : i1 to i32
      %sign3A_24 = arith.subi %sign3A_20, %sign3A_23 : i32
      %ne3A = arith.cmpi ne, %sign3A_17, %sign3A_24 : i32
      %rem3A = arith.remsi %add3A_11, %jit3A : i32
      %ne3A_25 = arith.constant 0 : i32
      %ne3A_26 = arith.cmpi ne, %rem3A, %ne3A_25 : i32
      %and3A = arith.andi %ne3A, %ne3A_26 : i1
      %sub3A = arith.constant 1 : i32
      %sub3A_27 = arith.subi %div3A, %sub3A : i32
      %select_n3A = arith.select %and3A, %sub3A_27, %div3A : i32
      %multiple_of3A = tpu.assume_multiple %select_n3A, 8 : i32
      "tpu.region"() ({
        %run_scoped3A = tpu.sem_alloc : memref<!tpu.dma_semaphore, #tpu.memory_space<semaphore_mem>>
        %dma_start3A_192 = arith.constant 0 : i32
        %dma_start3A_193 = tpu.memref_slice %arg2[%multiple_of3A, %dma_start3A_192] : memref<6400x128xi32, #tpu.memory_space<hbm>> -> memref<8x128xi32, #tpu.memory_space<hbm>>
        %dma_start3A_194 = arith.constant 0 : i32
        %dma_start3A_195 = tpu.memref_slice %arg2[%multiple_of3A, %dma_start3A_194] : memref<6400x128xi32, #tpu.memory_space<hbm>> -> memref<8x128xi32, #tpu.memory_space<hbm>>
        tpu.enqueue_dma source(%dma_start3A_195 : memref<8x128xi32, #tpu.memory_space<hbm>>) target(%arg5 : memref<8x128xi32, #tpu.memory_space<vmem>>) target_semaphore(%run_scoped3A : memref<!tpu.dma_semaphore, #tpu.memory_space<semaphore_mem>>)
        %dma_wait3A_196 = arith.constant 0 : i32
        %dma_wait3A_197 = tpu.memref_slice %arg2[%multiple_of3A, %dma_wait3A_196] : memref<6400x128xi32, #tpu.memory_space<hbm>> -> memref<8x128xi32, #tpu.memory_space<hbm>>
        %dma_wait3A_198 = arith.constant 0 : i32
        %dma_wait3A_199 = tpu.memref_slice %arg2[%multiple_of3A, %dma_wait3A_198] : memref<6400x128xi32, #tpu.memory_space<hbm>> -> memref<8x128xi32, #tpu.memory_space<hbm>>
        tpu.wait_dma2 semaphore(%run_scoped3A : memref<!tpu.dma_semaphore, #tpu.memory_space<semaphore_mem>>) src(%dma_wait3A_199 : memref<8x128xi32, #tpu.memory_space<hbm>>) dst(%arg5 : memref<8x128xi32, #tpu.memory_space<vmem>>)
        tpu.yield
      }) : () -> ()
      %dma_start3A = arith.constant 0 : i32
      %dma_start3A_28 = arith.constant 0 : i32
      %dma_start3A_29 = arith.constant 0 : i32
      %dma_start3A_30 = tpu.memref_slice %arg6[%dma_start3A_28, %dma_start3A_29] : memref<1024x64xf32, #tpu.memory_space<vmem>> -> memref<128x64xf32, #tpu.memory_space<vmem>>
      %dma_start3A_31 = arith.constant 0 : i32
      %dma_start3A_32 = tpu.memref_slice %arg5[%dma_start3A, %dma_start3A_31] : memref<8x128xi32, #tpu.memory_space<vmem>> -> memref<1x128xi32, #tpu.memory_space<vmem>>
      %dma_start3A_33 = tpu.memref_squeeze %dma_start3A_32 : memref<1x128xi32, #tpu.memory_space<vmem>> -> memref<128xi32, #tpu.memory_space<vmem>>
      %dma_start3A_34 = arith.constant 0 : i32
      %dma_start3A_35 = arith.constant 0 : i32
      %dma_start3A_36 = tpu.memref_slice %arg3[%dma_start3A_34, %dma_start3A_35] : memref<1000000x64xf32, #tpu.memory_space<hbm>> -> memref<1000000x64xf32, #tpu.memory_space<hbm>>
      tpu.enqueue_indirect_dma source(%dma_start3A_36 : memref<1000000x64xf32, #tpu.memory_space<hbm>>) target(%dma_start3A_30 : memref<128x64xf32, #tpu.memory_space<vmem>>) offsets(%dma_start3A_33 : memref<128xi32, #tpu.memory_space<vmem>>) semaphore(%arg7 : memref<!tpu.dma_semaphore, #tpu.memory_space<semaphore_mem>>)
      %dma_start3A_37 = arith.constant 1 : i32
      %dma_start3A_38 = arith.constant 128 : i32
      %dma_start3A_39 = arith.constant 0 : i32
      %dma_start3A_40 = tpu.memref_slice %arg6[%dma_start3A_38, %dma_start3A_39] : memref<1024x64xf32, #tpu.memory_space<vmem>> -> memref<128x64xf32, #tpu.memory_space<vmem>>
      %dma_start3A_41 = arith.constant 0 : i32
      %dma_start3A_42 = tpu.memref_slice %arg5[%dma_start3A_37, %dma_start3A_41] : memref<8x128xi32, #tpu.memory_space<vmem>> -> memref<1x128xi32, #tpu.memory_space<vmem>>
      %dma_start3A_43 = tpu.memref_squeeze %dma_start3A_42 : memref<1x128xi32, #tpu.memory_space<vmem>> -> memref<128xi32, #tpu.memory_space<vmem>>
      %dma_start3A_44 = arith.constant 0 : i32
      %dma_start3A_45 = arith.constant 0 : i32
      %dma_start3A_46 = tpu.memref_slice %arg3[%dma_start3A_44, %dma_start3A_45] : memref<1000000x64xf32, #tpu.memory_space<hbm>> -> memref<1000000x64xf32, #tpu.memory_space<hbm>>
      tpu.enqueue_indirect_dma source(%dma_start3A_46 : memref<1000000x64xf32, #tpu.memory_space<hbm>>) target(%dma_start3A_40 : memref<128x64xf32, #tpu.memory_space<vmem>>) offsets(%dma_start3A_43 : memref<128xi32, #tpu.memory_space<vmem>>) semaphore(%arg7 : memref<!tpu.dma_semaphore, #tpu.memory_space<semaphore_mem>>)
      %dma_start3A_47 = arith.constant 2 : i32
      %dma_start3A_48 = arith.constant 256 : i32
      %dma_start3A_49 = arith.constant 0 : i32
      %dma_start3A_50 = tpu.memref_slice %arg6[%dma_start3A_48, %dma_start3A_49] : memref<1024x64xf32, #tpu.memory_space<vmem>> -> memref<128x64xf32, #tpu.memory_space<vmem>>
      %dma_start3A_51 = arith.constant 0 : i32
      %dma_start3A_52 = tpu.memref_slice %arg5[%dma_start3A_47, %dma_start3A_51] : memref<8x128xi32, #tpu.memory_space<vmem>> -> memref<1x128xi32, #tpu.memory_space<vmem>>
      %dma_start3A_53 = tpu.memref_squeeze %dma_start3A_52 : memref<1x128xi32, #tpu.memory_space<vmem>> -> memref<128xi32, #tpu.memory_space<vmem>>
      %dma_start3A_54 = arith.constant 0 : i32
      %dma_start3A_55 = arith.constant 0 : i32
      %dma_start3A_56 = tpu.memref_slice %arg3[%dma_start3A_54, %dma_start3A_55] : memref<1000000x64xf32, #tpu.memory_space<hbm>> -> memref<1000000x64xf32, #tpu.memory_space<hbm>>
      tpu.enqueue_indirect_dma source(%dma_start3A_56 : memref<1000000x64xf32, #tpu.memory_space<hbm>>) target(%dma_start3A_50 : memref<128x64xf32, #tpu.memory_space<vmem>>) offsets(%dma_start3A_53 : memref<128xi32, #tpu.memory_space<vmem>>) semaphore(%arg7 : memref<!tpu.dma_semaphore, #tpu.memory_space<semaphore_mem>>)
      %dma_start3A_57 = arith.constant 3 : i32
      %dma_start3A_58 = arith.constant 384 : i32
      %dma_start3A_59 = arith.constant 0 : i32
      %dma_start3A_60 = tpu.memref_slice %arg6[%dma_start3A_58, %dma_start3A_59] : memref<1024x64xf32, #tpu.memory_space<vmem>> -> memref<128x64xf32, #tpu.memory_space<vmem>>
      %dma_start3A_61 = arith.constant 0 : i32
      %dma_start3A_62 = tpu.memref_slice %arg5[%dma_start3A_57, %dma_start3A_61] : memref<8x128xi32, #tpu.memory_space<vmem>> -> memref<1x128xi32, #tpu.memory_space<vmem>>
      %dma_start3A_63 = tpu.memref_squeeze %dma_start3A_62 : memref<1x128xi32, #tpu.memory_space<vmem>> -> memref<128xi32, #tpu.memory_space<vmem>>
      %dma_start3A_64 = arith.constant 0 : i32
      %dma_start3A_65 = arith.constant 0 : i32
      %dma_start3A_66 = tpu.memref_slice %arg3[%dma_start3A_64, %dma_start3A_65] : memref<1000000x64xf32, #tpu.memory_space<hbm>> -> memref<1000000x64xf32, #tpu.memory_space<hbm>>
      tpu.enqueue_indirect_dma source(%dma_start3A_66 : memref<1000000x64xf32, #tpu.memory_space<hbm>>) target(%dma_start3A_60 : memref<128x64xf32, #tpu.memory_space<vmem>>) offsets(%dma_start3A_63 : memref<128xi32, #tpu.memory_space<vmem>>) semaphore(%arg7 : memref<!tpu.dma_semaphore, #tpu.memory_space<semaphore_mem>>)
      %dma_start3A_67 = arith.constant 4 : i32
      %dma_start3A_68 = arith.constant 512 : i32
      %dma_start3A_69 = arith.constant 0 : i32
      %dma_start3A_70 = tpu.memref_slice %arg6[%dma_start3A_68, %dma_start3A_69] : memref<1024x64xf32, #tpu.memory_space<vmem>> -> memref<128x64xf32, #tpu.memory_space<vmem>>
      %dma_start3A_71 = arith.constant 0 : i32
      %dma_start3A_72 = tpu.memref_slice %arg5[%dma_start3A_67, %dma_start3A_71] : memref<8x128xi32, #tpu.memory_space<vmem>> -> memref<1x128xi32, #tpu.memory_space<vmem>>
      %dma_start3A_73 = tpu.memref_squeeze %dma_start3A_72 : memref<1x128xi32, #tpu.memory_space<vmem>> -> memref<128xi32, #tpu.memory_space<vmem>>
      %dma_start3A_74 = arith.constant 0 : i32
      %dma_start3A_75 = arith.constant 0 : i32
      %dma_start3A_76 = tpu.memref_slice %arg3[%dma_start3A_74, %dma_start3A_75] : memref<1000000x64xf32, #tpu.memory_space<hbm>> -> memref<1000000x64xf32, #tpu.memory_space<hbm>>
      tpu.enqueue_indirect_dma source(%dma_start3A_76 : memref<1000000x64xf32, #tpu.memory_space<hbm>>) target(%dma_start3A_70 : memref<128x64xf32, #tpu.memory_space<vmem>>) offsets(%dma_start3A_73 : memref<128xi32, #tpu.memory_space<vmem>>) semaphore(%arg7 : memref<!tpu.dma_semaphore, #tpu.memory_space<semaphore_mem>>)
      %dma_start3A_77 = arith.constant 5 : i32
      %dma_start3A_78 = arith.constant 640 : i32
      %dma_start3A_79 = arith.constant 0 : i32
      %dma_start3A_80 = tpu.memref_slice %arg6[%dma_start3A_78, %dma_start3A_79] : memref<1024x64xf32, #tpu.memory_space<vmem>> -> memref<128x64xf32, #tpu.memory_space<vmem>>
      %dma_start3A_81 = arith.constant 0 : i32
      %dma_start3A_82 = tpu.memref_slice %arg5[%dma_start3A_77, %dma_start3A_81] : memref<8x128xi32, #tpu.memory_space<vmem>> -> memref<1x128xi32, #tpu.memory_space<vmem>>
      %dma_start3A_83 = tpu.memref_squeeze %dma_start3A_82 : memref<1x128xi32, #tpu.memory_space<vmem>> -> memref<128xi32, #tpu.memory_space<vmem>>
      %dma_start3A_84 = arith.constant 0 : i32
      %dma_start3A_85 = arith.constant 0 : i32
      %dma_start3A_86 = tpu.memref_slice %arg3[%dma_start3A_84, %dma_start3A_85] : memref<1000000x64xf32, #tpu.memory_space<hbm>> -> memref<1000000x64xf32, #tpu.memory_space<hbm>>
      tpu.enqueue_indirect_dma source(%dma_start3A_86 : memref<1000000x64xf32, #tpu.memory_space<hbm>>) target(%dma_start3A_80 : memref<128x64xf32, #tpu.memory_space<vmem>>) offsets(%dma_start3A_83 : memref<128xi32, #tpu.memory_space<vmem>>) semaphore(%arg7 : memref<!tpu.dma_semaphore, #tpu.memory_space<semaphore_mem>>)
      %dma_start3A_87 = arith.constant 6 : i32
      %dma_start3A_88 = arith.constant 768 : i32
      %dma_start3A_89 = arith.constant 0 : i32
      %dma_start3A_90 = tpu.memref_slice %arg6[%dma_start3A_88, %dma_start3A_89] : memref<1024x64xf32, #tpu.memory_space<vmem>> -> memref<128x64xf32, #tpu.memory_space<vmem>>
      %dma_start3A_91 = arith.constant 0 : i32
      %dma_start3A_92 = tpu.memref_slice %arg5[%dma_start3A_87, %dma_start3A_91] : memref<8x128xi32, #tpu.memory_space<vmem>> -> memref<1x128xi32, #tpu.memory_space<vmem>>
      %dma_start3A_93 = tpu.memref_squeeze %dma_start3A_92 : memref<1x128xi32, #tpu.memory_space<vmem>> -> memref<128xi32, #tpu.memory_space<vmem>>
      %dma_start3A_94 = arith.constant 0 : i32
      %dma_start3A_95 = arith.constant 0 : i32
      %dma_start3A_96 = tpu.memref_slice %arg3[%dma_start3A_94, %dma_start3A_95] : memref<1000000x64xf32, #tpu.memory_space<hbm>> -> memref<1000000x64xf32, #tpu.memory_space<hbm>>
      tpu.enqueue_indirect_dma source(%dma_start3A_96 : memref<1000000x64xf32, #tpu.memory_space<hbm>>) target(%dma_start3A_90 : memref<128x64xf32, #tpu.memory_space<vmem>>) offsets(%dma_start3A_93 : memref<128xi32, #tpu.memory_space<vmem>>) semaphore(%arg7 : memref<!tpu.dma_semaphore, #tpu.memory_space<semaphore_mem>>)
      %dma_start3A_97 = arith.constant 7 : i32
      %dma_start3A_98 = arith.constant 896 : i32
      %dma_start3A_99 = arith.constant 0 : i32
      %dma_start3A_100 = tpu.memref_slice %arg6[%dma_start3A_98, %dma_start3A_99] : memref<1024x64xf32, #tpu.memory_space<vmem>> -> memref<128x64xf32, #tpu.memory_space<vmem>>
      %dma_start3A_101 = arith.constant 0 : i32
      %dma_start3A_102 = tpu.memref_slice %arg5[%dma_start3A_97, %dma_start3A_101] : memref<8x128xi32, #tpu.memory_space<vmem>> -> memref<1x128xi32, #tpu.memory_space<vmem>>
      %dma_start3A_103 = tpu.memref_squeeze %dma_start3A_102 : memref<1x128xi32, #tpu.memory_space<vmem>> -> memref<128xi32, #tpu.memory_space<vmem>>
      %dma_start3A_104 = arith.constant 0 : i32
      %dma_start3A_105 = arith.constant 0 : i32
      %dma_start3A_106 = tpu.memref_slice %arg3[%dma_start3A_104, %dma_start3A_105] : memref<1000000x64xf32, #tpu.memory_space<hbm>> -> memref<1000000x64xf32, #tpu.memory_space<hbm>>
      tpu.enqueue_indirect_dma source(%dma_start3A_106 : memref<1000000x64xf32, #tpu.memory_space<hbm>>) target(%dma_start3A_100 : memref<128x64xf32, #tpu.memory_space<vmem>>) offsets(%dma_start3A_103 : memref<128xi32, #tpu.memory_space<vmem>>) semaphore(%arg7 : memref<!tpu.dma_semaphore, #tpu.memory_space<semaphore_mem>>)
      %dma_wait3A = arith.constant 0 : i32
      %dma_wait3A_107 = arith.constant 0 : i32
      %dma_wait3A_108 = arith.constant 0 : i32
      %dma_wait3A_109 = tpu.memref_slice %arg6[%dma_wait3A_107, %dma_wait3A_108] : memref<1024x64xf32, #tpu.memory_space<vmem>> -> memref<128x64xf32, #tpu.memory_space<vmem>>
      %dma_wait3A_110 = arith.constant 0 : i32
      %dma_wait3A_111 = tpu.memref_slice %arg5[%dma_wait3A, %dma_wait3A_110] : memref<8x128xi32, #tpu.memory_space<vmem>> -> memref<1x128xi32, #tpu.memory_space<vmem>>
      %dma_wait3A_112 = tpu.memref_squeeze %dma_wait3A_111 : memref<1x128xi32, #tpu.memory_space<vmem>> -> memref<128xi32, #tpu.memory_space<vmem>>
      %dma_wait3A_113 = arith.constant 0 : i32
      %dma_wait3A_114 = arith.constant 0 : i32
      %dma_wait3A_115 = tpu.memref_slice %arg3[%dma_wait3A_113, %dma_wait3A_114] : memref<1000000x64xf32, #tpu.memory_space<hbm>> -> memref<1000000x64xf32, #tpu.memory_space<hbm>>
      tpu.wait_indirect_dma semaphore(%arg7 : memref<!tpu.dma_semaphore, #tpu.memory_space<semaphore_mem>>) src(%dma_wait3A_115 : memref<1000000x64xf32, #tpu.memory_space<hbm>>) dst(%dma_wait3A_109 : memref<128x64xf32, #tpu.memory_space<vmem>>)
      %dma_wait3A_116 = arith.constant 1 : i32
      %dma_wait3A_117 = arith.constant 128 : i32
      %dma_wait3A_118 = arith.constant 0 : i32
      %dma_wait3A_119 = tpu.memref_slice %arg6[%dma_wait3A_117, %dma_wait3A_118] : memref<1024x64xf32, #tpu.memory_space<vmem>> -> memref<128x64xf32, #tpu.memory_space<vmem>>
      %dma_wait3A_120 = arith.constant 0 : i32
      %dma_wait3A_121 = tpu.memref_slice %arg5[%dma_wait3A_116, %dma_wait3A_120] : memref<8x128xi32, #tpu.memory_space<vmem>> -> memref<1x128xi32, #tpu.memory_space<vmem>>
      %dma_wait3A_122 = tpu.memref_squeeze %dma_wait3A_121 : memref<1x128xi32, #tpu.memory_space<vmem>> -> memref<128xi32, #tpu.memory_space<vmem>>
      %dma_wait3A_123 = arith.constant 0 : i32
      %dma_wait3A_124 = arith.constant 0 : i32
      %dma_wait3A_125 = tpu.memref_slice %arg3[%dma_wait3A_123, %dma_wait3A_124] : memref<1000000x64xf32, #tpu.memory_space<hbm>> -> memref<1000000x64xf32, #tpu.memory_space<hbm>>
      tpu.wait_indirect_dma semaphore(%arg7 : memref<!tpu.dma_semaphore, #tpu.memory_space<semaphore_mem>>) src(%dma_wait3A_125 : memref<1000000x64xf32, #tpu.memory_space<hbm>>) dst(%dma_wait3A_119 : memref<128x64xf32, #tpu.memory_space<vmem>>)
      %dma_wait3A_126 = arith.constant 2 : i32
      %dma_wait3A_127 = arith.constant 256 : i32
      %dma_wait3A_128 = arith.constant 0 : i32
      %dma_wait3A_129 = tpu.memref_slice %arg6[%dma_wait3A_127, %dma_wait3A_128] : memref<1024x64xf32, #tpu.memory_space<vmem>> -> memref<128x64xf32, #tpu.memory_space<vmem>>
      %dma_wait3A_130 = arith.constant 0 : i32
      %dma_wait3A_131 = tpu.memref_slice %arg5[%dma_wait3A_126, %dma_wait3A_130] : memref<8x128xi32, #tpu.memory_space<vmem>> -> memref<1x128xi32, #tpu.memory_space<vmem>>
      %dma_wait3A_132 = tpu.memref_squeeze %dma_wait3A_131 : memref<1x128xi32, #tpu.memory_space<vmem>> -> memref<128xi32, #tpu.memory_space<vmem>>
      %dma_wait3A_133 = arith.constant 0 : i32
      %dma_wait3A_134 = arith.constant 0 : i32
      %dma_wait3A_135 = tpu.memref_slice %arg3[%dma_wait3A_133, %dma_wait3A_134] : memref<1000000x64xf32, #tpu.memory_space<hbm>> -> memref<1000000x64xf32, #tpu.memory_space<hbm>>
      tpu.wait_indirect_dma semaphore(%arg7 : memref<!tpu.dma_semaphore, #tpu.memory_space<semaphore_mem>>) src(%dma_wait3A_135 : memref<1000000x64xf32, #tpu.memory_space<hbm>>) dst(%dma_wait3A_129 : memref<128x64xf32, #tpu.memory_space<vmem>>)
      %dma_wait3A_136 = arith.constant 3 : i32
      %dma_wait3A_137 = arith.constant 384 : i32
      %dma_wait3A_138 = arith.constant 0 : i32
      %dma_wait3A_139 = tpu.memref_slice %arg6[%dma_wait3A_137, %dma_wait3A_138] : memref<1024x64xf32, #tpu.memory_space<vmem>> -> memref<128x64xf32, #tpu.memory_space<vmem>>
      %dma_wait3A_140 = arith.constant 0 : i32
      %dma_wait3A_141 = tpu.memref_slice %arg5[%dma_wait3A_136, %dma_wait3A_140] : memref<8x128xi32, #tpu.memory_space<vmem>> -> memref<1x128xi32, #tpu.memory_space<vmem>>
      %dma_wait3A_142 = tpu.memref_squeeze %dma_wait3A_141 : memref<1x128xi32, #tpu.memory_space<vmem>> -> memref<128xi32, #tpu.memory_space<vmem>>
      %dma_wait3A_143 = arith.constant 0 : i32
      %dma_wait3A_144 = arith.constant 0 : i32
      %dma_wait3A_145 = tpu.memref_slice %arg3[%dma_wait3A_143, %dma_wait3A_144] : memref<1000000x64xf32, #tpu.memory_space<hbm>> -> memref<1000000x64xf32, #tpu.memory_space<hbm>>
      tpu.wait_indirect_dma semaphore(%arg7 : memref<!tpu.dma_semaphore, #tpu.memory_space<semaphore_mem>>) src(%dma_wait3A_145 : memref<1000000x64xf32, #tpu.memory_space<hbm>>) dst(%dma_wait3A_139 : memref<128x64xf32, #tpu.memory_space<vmem>>)
      %dma_wait3A_146 = arith.constant 4 : i32
      %dma_wait3A_147 = arith.constant 512 : i32
      %dma_wait3A_148 = arith.constant 0 : i32
      %dma_wait3A_149 = tpu.memref_slice %arg6[%dma_wait3A_147, %dma_wait3A_148] : memref<1024x64xf32, #tpu.memory_space<vmem>> -> memref<128x64xf32, #tpu.memory_space<vmem>>
      %dma_wait3A_150 = arith.constant 0 : i32
      %dma_wait3A_151 = tpu.memref_slice %arg5[%dma_wait3A_146, %dma_wait3A_150] : memref<8x128xi32, #tpu.memory_space<vmem>> -> memref<1x128xi32, #tpu.memory_space<vmem>>
      %dma_wait3A_152 = tpu.memref_squeeze %dma_wait3A_151 : memref<1x128xi32, #tpu.memory_space<vmem>> -> memref<128xi32, #tpu.memory_space<vmem>>
      %dma_wait3A_153 = arith.constant 0 : i32
      %dma_wait3A_154 = arith.constant 0 : i32
      %dma_wait3A_155 = tpu.memref_slice %arg3[%dma_wait3A_153, %dma_wait3A_154] : memref<1000000x64xf32, #tpu.memory_space<hbm>> -> memref<1000000x64xf32, #tpu.memory_space<hbm>>
      tpu.wait_indirect_dma semaphore(%arg7 : memref<!tpu.dma_semaphore, #tpu.memory_space<semaphore_mem>>) src(%dma_wait3A_155 : memref<1000000x64xf32, #tpu.memory_space<hbm>>) dst(%dma_wait3A_149 : memref<128x64xf32, #tpu.memory_space<vmem>>)
      %dma_wait3A_156 = arith.constant 5 : i32
      %dma_wait3A_157 = arith.constant 640 : i32
      %dma_wait3A_158 = arith.constant 0 : i32
      %dma_wait3A_159 = tpu.memref_slice %arg6[%dma_wait3A_157, %dma_wait3A_158] : memref<1024x64xf32, #tpu.memory_space<vmem>> -> memref<128x64xf32, #tpu.memory_space<vmem>>
      %dma_wait3A_160 = arith.constant 0 : i32
      %dma_wait3A_161 = tpu.memref_slice %arg5[%dma_wait3A_156, %dma_wait3A_160] : memref<8x128xi32, #tpu.memory_space<vmem>> -> memref<1x128xi32, #tpu.memory_space<vmem>>
      %dma_wait3A_162 = tpu.memref_squeeze %dma_wait3A_161 : memref<1x128xi32, #tpu.memory_space<vmem>> -> memref<128xi32, #tpu.memory_space<vmem>>
      %dma_wait3A_163 = arith.constant 0 : i32
      %dma_wait3A_164 = arith.constant 0 : i32
      %dma_wait3A_165 = tpu.memref_slice %arg3[%dma_wait3A_163, %dma_wait3A_164] : memref<1000000x64xf32, #tpu.memory_space<hbm>> -> memref<1000000x64xf32, #tpu.memory_space<hbm>>
      tpu.wait_indirect_dma semaphore(%arg7 : memref<!tpu.dma_semaphore, #tpu.memory_space<semaphore_mem>>) src(%dma_wait3A_165 : memref<1000000x64xf32, #tpu.memory_space<hbm>>) dst(%dma_wait3A_159 : memref<128x64xf32, #tpu.memory_space<vmem>>)
      %dma_wait3A_166 = arith.constant 6 : i32
      %dma_wait3A_167 = arith.constant 768 : i32
      %dma_wait3A_168 = arith.constant 0 : i32
      %dma_wait3A_169 = tpu.memref_slice %arg6[%dma_wait3A_167, %dma_wait3A_168] : memref<1024x64xf32, #tpu.memory_space<vmem>> -> memref<128x64xf32, #tpu.memory_space<vmem>>
      %dma_wait3A_170 = arith.constant 0 : i32
      %dma_wait3A_171 = tpu.memref_slice %arg5[%dma_wait3A_166, %dma_wait3A_170] : memref<8x128xi32, #tpu.memory_space<vmem>> -> memref<1x128xi32, #tpu.memory_space<vmem>>
      %dma_wait3A_172 = tpu.memref_squeeze %dma_wait3A_171 : memref<1x128xi32, #tpu.memory_space<vmem>> -> memref<128xi32, #tpu.memory_space<vmem>>
      %dma_wait3A_173 = arith.constant 0 : i32
      %dma_wait3A_174 = arith.constant 0 : i32
      %dma_wait3A_175 = tpu.memref_slice %arg3[%dma_wait3A_173, %dma_wait3A_174] : memref<1000000x64xf32, #tpu.memory_space<hbm>> -> memref<1000000x64xf32, #tpu.memory_space<hbm>>
      tpu.wait_indirect_dma semaphore(%arg7 : memref<!tpu.dma_semaphore, #tpu.memory_space<semaphore_mem>>) src(%dma_wait3A_175 : memref<1000000x64xf32, #tpu.memory_space<hbm>>) dst(%dma_wait3A_169 : memref<128x64xf32, #tpu.memory_space<vmem>>)
      %dma_wait3A_176 = arith.constant 7 : i32
      %dma_wait3A_177 = arith.constant 896 : i32
      %dma_wait3A_178 = arith.constant 0 : i32
      %dma_wait3A_179 = tpu.memref_slice %arg6[%dma_wait3A_177, %dma_wait3A_178] : memref<1024x64xf32, #tpu.memory_space<vmem>> -> memref<128x64xf32, #tpu.memory_space<vmem>>
      %dma_wait3A_180 = arith.constant 0 : i32
      %dma_wait3A_181 = tpu.memref_slice %arg5[%dma_wait3A_176, %dma_wait3A_180] : memref<8x128xi32, #tpu.memory_space<vmem>> -> memref<1x128xi32, #tpu.memory_space<vmem>>
      %dma_wait3A_182 = tpu.memref_squeeze %dma_wait3A_181 : memref<1x128xi32, #tpu.memory_space<vmem>> -> memref<128xi32, #tpu.memory_space<vmem>>
      %dma_wait3A_183 = arith.constant 0 : i32
      %dma_wait3A_184 = arith.constant 0 : i32
      %dma_wait3A_185 = tpu.memref_slice %arg3[%dma_wait3A_183, %dma_wait3A_184] : memref<1000000x64xf32, #tpu.memory_space<hbm>> -> memref<1000000x64xf32, #tpu.memory_space<hbm>>
      tpu.wait_indirect_dma semaphore(%arg7 : memref<!tpu.dma_semaphore, #tpu.memory_space<semaphore_mem>>) src(%dma_wait3A_185 : memref<1000000x64xf32, #tpu.memory_space<hbm>>) dst(%dma_wait3A_179 : memref<128x64xf32, #tpu.memory_space<vmem>>)
      %scan3A_186 = arith.constant 0 : i32
      %scan3A_187 = arith.constant 0 : i32
      %scan3A_188 = arith.constant 1024 : i32
      %scan3A_189 = arith.addi %scan3A_187, %scan3A_188 : i32
      %scan3A_190 = arith.constant 2 : i32
      scf.for %scan3A_192 = %scan3A_187 to %scan3A_189 step %scan3A_190  : i32 {
        %get3A = arith.index_cast %scan3A_192 : i32 to index
        %get3A_193 = arith.constant 0 : index
        %get3A_194 = tpu.vector_load %arg6[%get3A, %get3A_193] {strides = array<i32>} : memref<1024x64xf32, #tpu.memory_space<vmem>>, vector<1x16xf32>,
        %get3A_195 = vector.shape_cast %get3A_194 : vector<1x16xf32> to vector<16xf32>
        %mul3A_196 = arith.constant 8.000000e+00 : f32
        %mul3A_197 = vector.broadcast %mul3A_196 : f32 to vector<16xf32>
        %mul3A_198 = arith.mulf %get3A_195, %mul3A_197 : vector<16xf32>
        %swap3A = arith.index_cast %scan3A_192 : i32 to index
        %swap3A_199 = arith.constant 0 : index
        %swap3A_200 = tpu.vector_load %arg6[%swap3A, %swap3A_199] {strides = array<i32>} : memref<1024x64xf32, #tpu.memory_space<vmem>>, vector<1x16xf32>,
        %swap3A_201 = vector.shape_cast %swap3A_200 : vector<1x16xf32> to vector<16xf32>
        %swap3A_202 = vector.shape_cast %mul3A_198 : vector<16xf32> to vector<1x16xf32>
        tpu.vector_store %arg6[%swap3A, %swap3A_199], %swap3A_202 {strides = array<i32>} : memref<1024x64xf32, #tpu.memory_space<vmem>>, vector<1x16xf32>,
        %get3A_203 = arith.index_cast %scan3A_192 : i32 to index
        %get3A_204 = arith.constant 16 : index
        %get3A_205 = tpu.vector_load %arg6[%get3A_203, %get3A_204] {strides = array<i32>} : memref<1024x64xf32, #tpu.memory_space<vmem>>, vector<1x16xf32>,
        %get3A_206 = vector.shape_cast %get3A_205 : vector<1x16xf32> to vector<16xf32>
        %mul3A_207 = arith.constant 8.000000e+00 : f32
        %mul3A_208 = vector.broadcast %mul3A_207 : f32 to vector<16xf32>
        %mul3A_209 = arith.mulf %get3A_206, %mul3A_208 : vector<16xf32>
        %swap3A_210 = arith.index_cast %scan3A_192 : i32 to index
        %swap3A_211 = arith.constant 16 : index
        %swap3A_212 = tpu.vector_load %arg6[%swap3A_210, %swap3A_211] {strides = array<i32>} : memref<1024x64xf32, #tpu.memory_space<vmem>>, vector<1x16xf32>,
        %swap3A_213 = vector.shape_cast %swap3A_212 : vector<1x16xf32> to vector<16xf32>
        %swap3A_214 = vector.shape_cast %mul3A_209 : vector<16xf32> to vector<1x16xf32>
        tpu.vector_store %arg6[%swap3A_210, %swap3A_211], %swap3A_214 {strides = array<i32>} : memref<1024x64xf32, #tpu.memory_space<vmem>>, vector<1x16xf32>,
        %get3A_215 = arith.index_cast %scan3A_192 : i32 to index
        %get3A_216 = arith.constant 32 : index
        %get3A_217 = tpu.vector_load %arg6[%get3A_215, %get3A_216] {strides = array<i32>} : memref<1024x64xf32, #tpu.memory_space<vmem>>, vector<1x16xf32>,
        %get3A_218 = vector.shape_cast %get3A_217 : vector<1x16xf32> to vector<16xf32>
        %mul3A_219 = arith.constant 8.000000e+00 : f32
        %mul3A_220 = vector.broadcast %mul3A_219 : f32 to vector<16xf32>
        %mul3A_221 = arith.mulf %get3A_218, %mul3A_220 : vector<16xf32>
        %swap3A_222 = arith.index_cast %scan3A_192 : i32 to index
        %swap3A_223 = arith.constant 32 : index
        %swap3A_224 = tpu.vector_load %arg6[%swap3A_222, %swap3A_223] {strides = array<i32>} : memref<1024x64xf32, #tpu.memory_space<vmem>>, vector<1x16xf32>,
        %swap3A_225 = vector.shape_cast %swap3A_224 : vector<1x16xf32> to vector<16xf32>
        %swap3A_226 = vector.shape_cast %mul3A_221 : vector<16xf32> to vector<1x16xf32>
        tpu.vector_store %arg6[%swap3A_222, %swap3A_223], %swap3A_226 {strides = array<i32>} : memref<1024x64xf32, #tpu.memory_space<vmem>>, vector<1x16xf32>,
        %get3A_227 = arith.index_cast %scan3A_192 : i32 to index
        %get3A_228 = arith.constant 48 : index
        %get3A_229 = tpu.vector_load %arg6[%get3A_227, %get3A_228] {strides = array<i32>} : memref<1024x64xf32, #tpu.memory_space<vmem>>, vector<1x16xf32>,
        %get3A_230 = vector.shape_cast %get3A_229 : vector<1x16xf32> to vector<16xf32>
        %mul3A_231 = arith.constant 8.000000e+00 : f32
        %mul3A_232 = vector.broadcast %mul3A_231 : f32 to vector<16xf32>
        %mul3A_233 = arith.mulf %get3A_230, %mul3A_232 : vector<16xf32>
        %swap3A_234 = arith.index_cast %scan3A_192 : i32 to index
        %swap3A_235 = arith.constant 48 : index
        %swap3A_236 = tpu.vector_load %arg6[%swap3A_234, %swap3A_235] {strides = array<i32>} : memref<1024x64xf32, #tpu.memory_space<vmem>>, vector<1x16xf32>,
        %swap3A_237 = vector.shape_cast %swap3A_236 : vector<1x16xf32> to vector<16xf32>
        %swap3A_238 = vector.shape_cast %mul3A_233 : vector<16xf32> to vector<1x16xf32>
        tpu.vector_store %arg6[%swap3A_234, %swap3A_235], %swap3A_238 {strides = array<i32>} : memref<1024x64xf32, #tpu.memory_space<vmem>>, vector<1x16xf32>,
        %scan3A_239 = arith.constant 1 : i32
        %scan3A_240 = arith.addi %scan3A_192, %scan3A_239 : i32
        %get3A_241 = arith.index_cast %scan3A_240 : i32 to index
        %get3A_242 = arith.constant 0 : index
        %get3A_243 = tpu.vector_load %arg6[%get3A_241, %get3A_242] {strides = array<i32>} : memref<1024x64xf32, #tpu.memory_space<vmem>>, vector<1x16xf32>,
        %get3A_244 = vector.shape_cast %get3A_243 : vector<1x16xf32> to vector<16xf32>
        %mul3A_245 = arith.constant 8.000000e+00 : f32
        %mul3A_246 = vector.broadcast %mul3A_245 : f32 to vector<16xf32>
        %mul3A_247 = arith.mulf %get3A_244, %mul3A_246 : vector<16xf32>
        %swap3A_248 = arith.index_cast %scan3A_240 : i32 to index
        %swap3A_249 = arith.constant 0 : index
        %swap3A_250 = tpu.vector_load %arg6[%swap3A_248, %swap3A_249] {strides = array<i32>} : memref<1024x64xf32, #tpu.memory_space<vmem>>, vector<1x16xf32>,
        %swap3A_251 = vector.shape_cast %swap3A_250 : vector<1x16xf32> to vector<16xf32>
        %swap3A_252 = vector.shape_cast %mul3A_247 : vector<16xf32> to vector<1x16xf32>
        tpu.vector_store %arg6[%swap3A_248, %swap3A_249], %swap3A_252 {strides = array<i32>} : memref<1024x64xf32, #tpu.memory_space<vmem>>, vector<1x16xf32>,
        %get3A_253 = arith.index_cast %scan3A_240 : i32 to index
        %get3A_254 = arith.constant 16 : index
        %get3A_255 = tpu.vector_load %arg6[%get3A_253, %get3A_254] {strides = array<i32>} : memref<1024x64xf32, #tpu.memory_space<vmem>>, vector<1x16xf32>,
        %get3A_256 = vector.shape_cast %get3A_255 : vector<1x16xf32> to vector<16xf32>
        %mul3A_257 = arith.constant 8.000000e+00 : f32
        %mul3A_258 = vector.broadcast %mul3A_257 : f32 to vector<16xf32>
        %mul3A_259 = arith.mulf %get3A_256, %mul3A_258 : vector<16xf32>
        %swap3A_260 = arith.index_cast %scan3A_240 : i32 to index
        %swap3A_261 = arith.constant 16 : index
        %swap3A_262 = tpu.vector_load %arg6[%swap3A_260, %swap3A_261] {strides = array<i32>} : memref<1024x64xf32, #tpu.memory_space<vmem>>, vector<1x16xf32>,
        %swap3A_263 = vector.shape_cast %swap3A_262 : vector<1x16xf32> to vector<16xf32>
        %swap3A_264 = vector.shape_cast %mul3A_259 : vector<16xf32> to vector<1x16xf32>
        tpu.vector_store %arg6[%swap3A_260, %swap3A_261], %swap3A_264 {strides = array<i32>} : memref<1024x64xf32, #tpu.memory_space<vmem>>, vector<1x16xf32>,
        %get3A_265 = arith.index_cast %scan3A_240 : i32 to index
        %get3A_266 = arith.constant 32 : index
        %get3A_267 = tpu.vector_load %arg6[%get3A_265, %get3A_266] {strides = array<i32>} : memref<1024x64xf32, #tpu.memory_space<vmem>>, vector<1x16xf32>,
        %get3A_268 = vector.shape_cast %get3A_267 : vector<1x16xf32> to vector<16xf32>
        %mul3A_269 = arith.constant 8.000000e+00 : f32
        %mul3A_270 = vector.broadcast %mul3A_269 : f32 to vector<16xf32>
        %mul3A_271 = arith.mulf %get3A_268, %mul3A_270 : vector<16xf32>
        %swap3A_272 = arith.index_cast %scan3A_240 : i32 to index
        %swap3A_273 = arith.constant 32 : index
        %swap3A_274 = tpu.vector_load %arg6[%swap3A_272, %swap3A_273] {strides = array<i32>} : memref<1024x64xf32, #tpu.memory_space<vmem>>, vector<1x16xf32>,
        %swap3A_275 = vector.shape_cast %swap3A_274 : vector<1x16xf32> to vector<16xf32>
        %swap3A_276 = vector.shape_cast %mul3A_271 : vector<16xf32> to vector<1x16xf32>
        tpu.vector_store %arg6[%swap3A_272, %swap3A_273], %swap3A_276 {strides = array<i32>} : memref<1024x64xf32, #tpu.memory_space<vmem>>, vector<1x16xf32>,
        %get3A_277 = arith.index_cast %scan3A_240 : i32 to index
        %get3A_278 = arith.constant 48 : index
        %get3A_279 = tpu.vector_load %arg6[%get3A_277, %get3A_278] {strides = array<i32>} : memref<1024x64xf32, #tpu.memory_space<vmem>>, vector<1x16xf32>,
        %get3A_280 = vector.shape_cast %get3A_279 : vector<1x16xf32> to vector<16xf32>
        %mul3A_281 = arith.constant 8.000000e+00 : f32
        %mul3A_282 = vector.broadcast %mul3A_281 : f32 to vector<16xf32>
        %mul3A_283 = arith.mulf %get3A_280, %mul3A_282 : vector<16xf32>
        %swap3A_284 = arith.index_cast %scan3A_240 : i32 to index
        %swap3A_285 = arith.constant 48 : index
        %swap3A_286 = tpu.vector_load %arg6[%swap3A_284, %swap3A_285] {strides = array<i32>} : memref<1024x64xf32, #tpu.memory_space<vmem>>, vector<1x16xf32>,
        %swap3A_287 = vector.shape_cast %swap3A_286 : vector<1x16xf32> to vector<16xf32>
        %swap3A_288 = vector.shape_cast %mul3A_283 : vector<16xf32> to vector<1x16xf32>
        tpu.vector_store %arg6[%swap3A_284, %swap3A_285], %swap3A_288 {strides = array<i32>} : memref<1024x64xf32, #tpu.memory_space<vmem>>, vector<1x16xf32>,
      }
      %scan3A_191 = arith.constant 1024 : i32
      "tpu.region"() ({
        %run_scoped3A = tpu.sem_alloc : memref<!tpu.dma_semaphore, #tpu.memory_space<semaphore_mem>>
        %dma_start3A_192 = arith.constant 0 : i32
        %dma_start3A_193 = tpu.memref_slice %arg4[%add3A_11, %dma_start3A_192] : memref<819200x64xf32, #tpu.memory_space<hbm>> -> memref<1024x64xf32, #tpu.memory_space<hbm>>
        %dma_start3A_194 = arith.constant 0 : i32
        %dma_start3A_195 = tpu.memref_slice %arg4[%add3A_11, %dma_start3A_194] : memref<819200x64xf32, #tpu.memory_space<hbm>> -> memref<1024x64xf32, #tpu.memory_space<hbm>>
        tpu.enqueue_dma source(%arg6 : memref<1024x64xf32, #tpu.memory_space<vmem>>) target(%dma_start3A_195 : memref<1024x64xf32, #tpu.memory_space<hbm>>) target_semaphore(%run_scoped3A : memref<!tpu.dma_semaphore, #tpu.memory_space<semaphore_mem>>)
        %dma_wait3A_196 = arith.constant 0 : i32
        %dma_wait3A_197 = tpu.memref_slice %arg4[%add3A_11, %dma_wait3A_196] : memref<819200x64xf32, #tpu.memory_space<hbm>> -> memref<1024x64xf32, #tpu.memory_space<hbm>>
        %dma_wait3A_198 = arith.constant 0 : i32
        %dma_wait3A_199 = tpu.memref_slice %arg4[%add3A_11, %dma_wait3A_198] : memref<819200x64xf32, #tpu.memory_space<hbm>> -> memref<1024x64xf32, #tpu.memory_space<hbm>>
        tpu.wait_dma2 semaphore(%run_scoped3A : memref<!tpu.dma_semaphore, #tpu.memory_space<semaphore_mem>>) src(%arg6 : memref<1024x64xf32, #tpu.memory_space<vmem>>) dst(%dma_wait3A_199 : memref<1024x64xf32, #tpu.memory_space<hbm>>)
        tpu.yield
      }) : () -> ()
    }
    %scan3A_7 = arith.constant 25 : i32
    return
  }
}

</mosaic_0001>

<sc_bundles>
// kernel: kernel.3.cloned.1.call-start
scs
__scs_entry_jumppad:
0x0: {  	(pc) =	sbr.rel $0x88, $3  }
0x1: {  	(tag) =	ssettag $0x0;
	lr =	simm.s32 $0x1  }
0x2: {  	[smem:$0x3F9F] =	sst lr;
	_ =	strace $0xD0000000  }
0x3: {  	_ = 	snop  }
0x4: {  	_ = 	snop  }
0x5: {  	_ = 	snop  }
0x6: {  	_ = 	snop  }
0x7: {  	_ = 	snop  }
__scs_overlays_trampoline_lowered:
0x8: {  	[smem:$0x3FAE] =	sst s0  }
0x9: {  	[smem:$0x3FAF] =	sst s1  }
0xa: {  	[smem:$0x3FB0] =	sst s2  }
0xb: {  	[smem:$0x3FB1] =	sst s3  }
0xc: {  	[smem:$0x3FB2] =	sst s4  }
0xd: {  	[smem:$0x3FB3] =	sst s5  }
0xe: {  	[smem:$0x3FB4] =	sst s6  }
0xf: {  	[smem:$0x3FB5] =	sst s7  }
0x10: {  	[smem:$0x3FB6] =	sst s8  }
0x11: {  	[smem:$0x3FB7] =	sst s9;
	s0 =	simm.s32 @!p0 $0x0  }
0x12: {  	s1 =	sld [smem:$0x3F9D];
	s0 =	simm.s32 @p0 $0x1  }
0x13: {  	[smem:$0x3FB8] =	sst s0;
	s0 =	simm.s32 @!p1 $0x0  }
0x14: {  	s2 =	sld [smem:$0x3F9C];
	s0 =	simm.s32 @p1 $0x1  }
0x15: {  	[smem:$0x3FB9] =	sst s0;
	s0 =	simm.s32 @!p2 $0x0  }
0x16: {  	s3 =	sld [smem:$0x3FDB];
	s0 =	simm.s32 @p2 $0x1  }
0x17: {  	s4 =	simm.s32 $0x1BF5;
	[smem:$0x3FBB] =	sst s0  }
0x18: {  	s0 =	sld [smem:$0x3F9E];
	_ =	swait.ge [sflag:s4], $0x0  }
0x19: {  	s7 =	sld [smem:$0x3F9F]  }
0x1a: {  	s8 =	sadd.s32 $0xFFFFE003, lr  }
0x1b: {  	s9 =	sadd.s32 $0xFFFFFEF7, lr;
	s5 =	simm.s32 $0xFFFFFFFF;
	p2 =	slt.u32 s8, $0xFFFFF086  }
0x1c: {  	p1 =	slt.u32 s9, $0xF7A;
	s5 =	simm.s32 @!p2 $0x0  }
0x1d: {  	s5 =	simm.s32 @p1 $0x1;
	p0 =	seq.s32 s7, s2  }
0x1e: {  	s7 =	smul.u32 @!p0 $0xF7A, s2;
	p2 =	seq.s32 @!p0 s5, $0x0  }
0x1f: {  	s9 =	smul.u32 $0xF7A, s1;
	s8 =	simm.s32 @!p0 $0x1BF5;
	p2 =	por !p2, p0  }
0x20: {  	[sflag:s8] =	ssyncset.s32 @!p0 $0xFFFFF086;
	s6 =	sadd.s32 @!p0 s3, s7;
	s7 =	simm.s32 @!p0 $0x108  }
0x21: {  	s3 =	sadd.s32 s3, s9;
	s6 =	sadd.s32 @!p0 $0x88, s6;
	s7 =	simm.s32 @p2 $0x1082  }
0x22: {  	[simem:s7], [sflag:s8] =	dma.local @!p0 [hbm:s6], $0xF7A  }
0x23: {  	s9 =	sor.u32 $0xD0000000, s2;
	s6 =	simm.s32 $0x108;
	_ =	swait.ge @!p0 [sflag:s8], $0x0  }
0x24: {  	s3 =	sadd.s32 $0x88, s3;
	s6 =	simm.s32 @!p1 $0x1082;
	[sflag:s4] =	ssyncset.s32 $0xFFFFF086  }
0x25: {  	[simem:s6], [sflag:s4] =	dma.local [hbm:s3], $0xF7A  }
0x26: {  	[smem:$0x3F9F] =	sst s1;
	(tag) =	ssettag s2;
	_ =	strace s9  }
0x27: {  	s1 =	sld [smem:$0x3FAF]  }
0x28: {  	s2 =	sld [smem:$0x3FB0]  }
0x29: {  	s4 =	sld [smem:$0x3FB2]  }
0x2a: {  	p0 =	seq.s32 s5, $0x0;
	s5 =	sld [smem:$0x3FB3]  }
0x2b: {  	s6 =	sld [smem:$0x3FB4]  }
0x2c: {  	s7 =	sld [smem:$0x3FB5]  }
0x2d: {  	s3 =	simm.s32 $0x108;
	s8 =	sld [smem:$0x3FB6]  }
0x2e: {  	s3 =	simm.s32 @!p0 $0x1082;
	s9 =	sld [smem:$0x3FB7]  }
0x2f: {  	lr =	sadd.s32 s0, s3;
	s0 =	sld [smem:$0x3FAE]  }
0x30: {  	s3 =	sld [smem:$0x3FB1]  }
0x31: {  	[smem:$0x3FBA] =	sst s10  }
0x32: {  	s10 =	sld [smem:$0x3FB8];
	_ =	sdelay $0x3  }
0x33: {  	p0 =	seq.s32 s10, $0x1;
	s10 =	sld [smem:$0x3FBA];
	_ =	sdelay $0x3  }
0x34: {  	[smem:$0x3FBA] =	sst s10  }
0x35: {  	s10 =	sld [smem:$0x3FB9];
	_ =	sdelay $0x3  }
0x36: {  	p1 =	seq.s32 s10, $0x1;
	s10 =	sld [smem:$0x3FBA];
	_ =	sdelay $0x3  }
0x37: {  	[smem:$0x3FBA] =	sst s10  }
0x38: {  	s10 =	sld [smem:$0x3FBB]  }
0x39: {  	_ = 	snop;
	(pc) =	sbr.ind lr, $3  }
0x3a: {  	_ = 	snop  }
0x3b: {  	_ = 	snop  }
0x3c: {  	p2 =	seq.s32 s10, $0x1;
	s10 =	sld [smem:$0x3FBA]  }
0x3d: {  	_ =	shalt  }
0x3e: {  	_ =	shalt  }
0x3f: {  	_ =	shalt  }
0x40: {  	_ =	shalt  }
0x41: {  	_ =	shalt  }
0x42: {  	_ =	shalt  }
0x43: {  	_ =	shalt  }
0x44: {  	_ =	shalt  }
0x45: {  	_ =	shalt  }
0x46: {  	_ =	shalt  }
0x47: {  	_ =	shalt  }
0x48: {  	_ =	shalt  }
0x49: {  	_ =	shalt  }
0x4a: {  	_ =	shalt  }
0x4b: {  	_ =	shalt  }
0x4c: {  	_ =	shalt  }
0x4d: {  	_ =	shalt  }
0x4e: {  	_ =	shalt  }
0x4f: {  	_ =	shalt  }
0x50: {  	_ =	shalt  }
0x51: {  	_ =	shalt  }
0x52: {  	_ =	shalt  }
0x53: {  	_ =	shalt  }
0x54: {  	_ =	shalt  }
0x55: {  	_ =	shalt  }
0x56: {  	_ =	shalt  }
0x57: {  	_ =	shalt  }
0x58: {  	_ =	shalt  }
0x59: {  	_ =	shalt  }
0x5a: {  	_ =	shalt  }
0x5b: {  	_ =	shalt  }
0x5c: {  	_ =	shalt  }
0x5d: {  	_ =	shalt  }
0x5e: {  	_ =	shalt  }
0x5f: {  	_ =	shalt  }
0x60: {  	_ =	shalt  }
0x61: {  	_ =	shalt  }
0x62: {  	_ =	shalt  }
0x63: {  	_ =	shalt  }
0x64: {  	_ =	shalt  }
0x65: {  	_ =	shalt  }
0x66: {  	_ =	shalt  }
0x67: {  	_ =	shalt  }
0x68: {  	_ =	shalt  }
0x69: {  	_ =	shalt  }
0x6a: {  	_ =	shalt  }
0x6b: {  	_ =	shalt  }
0x6c: {  	_ =	shalt  }
0x6d: {  	_ =	shalt  }
0x6e: {  	_ =	shalt  }
0x6f: {  	_ =	shalt  }
0x70: {  	_ =	shalt  }
0x71: {  	_ =	shalt  }
0x72: {  	_ =	shalt  }
0x73: {  	_ =	shalt  }
0x74: {  	_ =	shalt  }
0x75: {  	_ =	shalt  }
0x76: {  	_ =	shalt  }
0x77: {  	_ =	shalt  }
0x78: {  	_ =	shalt  }
0x79: {  	_ =	shalt  }
0x7a: {  	_ =	shalt  }
0x7b: {  	_ =	shalt  }
0x7c: {  	_ =	shalt  }
0x7d: {  	_ =	shalt  }
0x7e: {  	_ =	shalt  }
0x7f: {  	_ =	shalt  }
0x80: {  	_ =	shalt  }
0x81: {  	_ =	shalt  }
0x82: {  	_ =	shalt  }
0x83: {  	_ =	shalt  }
0x84: {  	_ =	shalt  }
0x85: {  	_ =	shalt  }
0x86: {  	_ =	shalt  }
0x87: {  	_ =	shalt  }
.Lfunc_end0:
.L_simem_size_0:
called_computation.1_lowered:
.L_overlay_start_0:
0x88: {  	s2 =	sld [smem:$0x3FD9]  }
0x89: {  	s3 =	sld [smem:$0x3FFE];
	_ =	sdelay $0x1  }
0x8a: {  	s1 =	srdreg.scid  }
0x8b: {  	s0 =	sand.u32 $0x1, s1  }
0x8c: {  	s17 =	sshll.u32 s0, $0xA;
	s2 =	sadd.s32 s3, s2  }
0x8d: {  	s2 =	sadd.s32 s2, s17  }
0x8e: {  	[smem:$0x3FC6] =	sst s2  }
0x8f: {  	_ = 	snop  }
0x90: {  	s2 =	sld [smem:$0x3FD0];
	(tm) =	ssettm $0x1  }
0x91: {  	s18 =	sld [smem:$0x3FFB];
	_ =	sdelay $0x3  }
0x92: {  	_ =	strace s18  }
0x93: {  	s3 =	sld [smem:$0x3FFC];
	_ =	sdelay $0x3  }
0x94: {  	_ =	strace s3  }
0x95: {  	s3 =	sld [smem:$0x3FFD];
	_ =	sdelay $0x3  }
0x96: {  	_ =	strace s3  }
0x97: {  	_ =	strace $0x8FFFFFFF  }
0x98: {  	s19 =	sld [smem:$0x3FDB];
	_ =	sdelay $0x1  }
0x99: {  	s4 =	simm.s32 $_scs_section_size  }
0x9a: {  	s5 =	simm.s32 $_size__tile_overlayer_lowered;
	s6 =	simm.s32 $_tile_overlayer_lowered  }
0x9b: {  	s22 =	simm.s32 $0x1BFF;
	s21 =	sshll.u32 s6, $0x1;
	s3 =	sadd.s32 s4, s19  }
0x9c: {  	s7 =	simm.s32 $0x0;
	s20 =	sshll.u32 s5, $0x1;
	s5 =	sadd.s32 s21, s3  }
0x9d: {  	[timem:s7], [sflag:s22] =	dma.local [hbm:s5], s20  }
0x9e: {  	_ =	swait.ge [sflag:s22], s20  }
0x9f: {  	s4 =	ssub.s32 $0x0, s20;
	[sflag:s22] =	ssyncset.done $0x0  }
0xa0: {  	[sflag:s22] =	ssyncadd.s32 s4;
	_ =	sdelay $0x1  }
0xa1: {  	s23 =	simm.s32 $0x1B8B  }
0xa2: {  	_ =	swait.ge [sflag:s23], $0x1  }
0xa3: {  	[sflag:s23] =	ssyncset.done $0x0  }
0xa4: {  	s25 =	simm.s32 $0x1B8E;
	s24 =	sld [smem:$0x3FFE];
	[sflag:s23] =	ssyncadd.s32 $0xFFFFFFFF  }
0xa5: {  	s26 =	simm.s32 $execute0_lowered;
	[smem:$0x3FD2] =	sst s25  }
0xa6: {  	s5 =	sshll.u32 s26, $0x1;
	_ =	strace $0x80000046;
	[dreg:$0x1] =	wrdreg $0xFFFFFFFF  }
0xa7: {  	s28 =	simm.s32 $_size_execute0_lowered;
	s3 =	sadd.s32 s3, s5;
	[dreg:$0x0] =	wrdreg $0x0  }
0xa8: {  	s5 =	sshll.u32 s28, $0x1;
	[dreg:$0x2] =	wrdreg s3  }
0xa9: {  	[dreg:$0x3] =	wrdreg s5  }
0xaa: {  	[dreg:$0x4] =	wrdreg $0xC0  }
0xab: {  	_ =	task [dreg:s7], $0x5FFFF  }
0xac: {  	[dreg:$0x1] =	wrdreg $0xFFFFFFFF  }
0xad: {  	[dreg:$0x0] =	wrdreg $0x60  }
0xae: {  	[dreg:$0x2] =	wrdreg s24  }
0xaf: {  	[dreg:$0x3] =	wrdreg s2  }
0xb0: {  	[dreg:$0x4] =	wrdreg $0x9  }
0xb1: {  	_ =	task.clear_ibuf [dreg:s7], $0x5FFFF;
	_ =	strace $0x90000046  }
0xb2: {  	s29 =	simm.s32 $0x9;
	_ =	strace $0x80000048  }
0xb3: {  	_ =	swait.ge [sflag:s29], $0x1  }
0xb4: {  	[sflag:s29] =	ssyncadd.s32 $0xFFFFFFFF  }
0xb5: {  	_ =	strace $0x90000048  }
0xb6: {  	_ =	sfence  }
0xb7: {  	s30 =	sld [smem:$0x0];
	_ =	sdelay $0x2  }
0xb8: {  	s31 =	sshll.u32 s1, $0xD;
	s1 =	sshrl.u32 s1, $0x2  }
0xb9: {  	s3 =	sand.u32 $0x4000, s31;
	s1 =	sadd.s32 s1, s30  }
0xba: {  	s0 =	sor.u32 s3, s0;
	s1 =	sshll.u32 s1, $0x11  }
0xbb: {  	s0 =	sor.u32 s1, s0  }
0xbc: {  	s0 =	sadd.s32 $0x8F2B, s0  }
0xbd: {  	[sflag:s0] =	ssyncadd.remote.s32 $0x1  }
0xbe: {  	_ =	sfence.sel $0xFFFF  }
0xbf: {  	[dreg:$0x0] =	wrdreg $0xFFFFFFFF;
	(pc) =	sbr.abs _section_cstart, $3  }
0xc0: {  	[dreg:$0x1] =	wrdreg $0xFFFFFFFF  }
0xc1: {  	_ =	task.clear_ibuf [dreg:s7], $0x2FFFF;
	_ =	strace $0x9FFFFFFF  }
0xc2: {  	(tm) =	ssettm $0x7FFFFFFF  }
0xc3: {  	_ =	shalt  }
tec
execute0_lowered:
.L_overlay_start_1:
0x0: {  	(tag) =	ssettag $0x1  }
0x1: {  	s5 =	rddreg [dreg:$0x0]  }
0x2: {  	s1 =	rddreg [dreg:$0x1];
	s2 =	srdreg.scid  }
0x3: {  	s0 =	rddreg [dreg:$0x2];
	s3 =	simm.s32 $0x0;
	s10 =	simm.s32 $0x400  }
0x4: {  	s11 =	simm.s32 $0x2400;
	s12 =	simm.s32 $0x100;
	s13 =	simm.s32 $0x4400  }
0x5: {  	s14 =	simm.s32 $0x180;
	s15 =	simm.s32 $0x6400;
	s16 =	simm.s32 $0x200  }
0x6: {  	s17 =	simm.s32 $0x8400;
	s18 =	simm.s32 $0x280;
	s19 =	simm.s32 $0xA400  }
0x7: {  	s20 =	simm.s32 $0x300;
	s21 =	simm.s32 $0xC400;
	s22 =	simm.s32 $0x380  }
0x8: {  	s23 =	simm.s32 $0xE400;
	s24 =	simm.s32 $0x1;
	s25 =	simm.s32 $0x0  }
0x9: {  	s6 =	sand.u32 $0x1, s2;
	[smem:$0x7FF] =	sst s3;
	s2 =	stileid.u32  }
0xa: {  	s4 =	sadd.s32 $0xA00, s5;
	s5 =	sadd.s32 $0xF42E00, s5;
	s7 =	ssub.s32 $0x2, s6  }
0xb: {  	_ =	strace $0x80000047;
	s9 =	sshll.u32 s2, $0x1;
	s8 =	sshrl.u32 s7, $0x1  }
0xc: {  	s6 =	sor.u32 s6, s9;
	s9 =	simm.s32 $0x80;
	s7 =	ssub.s32 s7, s8  }
0xd: {  	s6 =	smul.u32 $0x6400, s6;
	s8 =	simm.s32 $0x2;
	s7 =	smax.u32 s7, $0x1  }
.LBB2_1:
0xe: {  	s26 =	simm.s32 $0x0  }
.LBB2_2:
0xf: {  	s28 =	sshll.u32 s26, $0xA  }
0x10: {  	s28 =	sadd.s32 s6, s28  }
0x11: {  	s29 =	sshrl.u32 s28, $0x3  }
0x12: {  	s29 =	sadd.s32 s4, s29  }
0x13: {  	[tilespmem:s3], [sflag:$0x2] =	stream.linear.gather [hbm4b:s29+s3], $0x400, $0x38;
	[tilespmem:$0x10400] =	vst v63  }
0x14: {  	_ =	swait.ge [sflag:s8], $0x400  }
0x15: {  	[sflag:s8] =	ssyncset.done $0x0  }
0x16: {  	[sflag:s8] =	ssyncadd.s32 $0xFFFFFC00  }
0x17: {  	[tilespmem:s10], [sflag:$0x1] =	stream.indirect.gather [hbm4b:s5+s9], $0x40, s3, s9, $0xb8;
	[tilespmem:$0x10400] =	vst v63  }
0x18: {  	_ = 	snop  }
0x19: {  	[tilespmem:s11], [sflag:$0x1] =	stream.indirect.gather [hbm4b:s5+s9], $0x40, s9, s9, $0xb8;
	[tilespmem:$0x10400] =	vst v63  }
0x1a: {  	_ = 	snop  }
0x1b: {  	[tilespmem:s13], [sflag:$0x1] =	stream.indirect.gather [hbm4b:s5+s9], $0x40, s12, s9, $0xb8;
	[tilespmem:$0x10400] =	vst v63  }
0x1c: {  	_ = 	snop  }
0x1d: {  	[tilespmem:s15], [sflag:$0x1] =	stream.indirect.gather [hbm4b:s5+s9], $0x40, s14, s9, $0xb8;
	[tilespmem:$0x10400] =	vst v63  }
0x1e: {  	_ = 	snop  }
0x1f: {  	[tilespmem:s17], [sflag:$0x1] =	stream.indirect.gather [hbm4b:s5+s9], $0x40, s16, s9, $0xb8;
	[tilespmem:$0x10400] =	vst v63  }
0x20: {  	_ = 	snop  }
0x21: {  	[tilespmem:s19], [sflag:$0x1] =	stream.indirect.gather [hbm4b:s5+s9], $0x40, s18, s9, $0xb8;
	[tilespmem:$0x10400] =	vst v63  }
0x22: {  	_ = 	snop  }
0x23: {  	[tilespmem:s21], [sflag:$0x1] =	stream.indirect.gather [hbm4b:s5+s9], $0x40, s20, s9, $0xb8;
	[tilespmem:$0x10400] =	vst v63  }
0x24: {  	_ = 	snop  }
0x25: {  	[tilespmem:s23], [sflag:$0x1] =	stream.indirect.gather [hbm4b:s5+s9], $0x40, s22, s9, $0xb8;
	[tilespmem:$0x10400] =	vst v63  }
0x26: {  	_ =	swait.ge [sflag:s24], $0x2000  }
0x27: {  	[sflag:s24] =	ssyncset.done $0x0  }
0x28: {  	[sflag:s24] =	ssyncadd.s32 $0xFFFFE000  }
0x29: {  	_ =	swait.ge [sflag:s24], $0x2000  }
0x2a: {  	[sflag:s24] =	ssyncset.done $0x0  }
0x2b: {  	[sflag:s24] =	ssyncadd.s32 $0xFFFFE000  }
0x2c: {  	_ =	swait.ge [sflag:s24], $0x2000  }
0x2d: {  	[sflag:s24] =	ssyncset.done $0x0  }
0x2e: {  	[sflag:s24] =	ssyncadd.s32 $0xFFFFE000  }
0x2f: {  	_ =	swait.ge [sflag:s24], $0x2000  }
0x30: {  	[sflag:s24] =	ssyncset.done $0x0  }
0x31: {  	[sflag:s24] =	ssyncadd.s32 $0xFFFFE000  }
0x32: {  	_ =	swait.ge [sflag:s24], $0x2000  }
0x33: {  	[sflag:s24] =	ssyncset.done $0x0  }
0x34: {  	[sflag:s24] =	ssyncadd.s32 $0xFFFFE000  }
0x35: {  	_ =	swait.ge [sflag:s24], $0x2000  }
0x36: {  	[sflag:s24] =	ssyncset.done $0x0  }
0x37: {  	[sflag:s24] =	ssyncadd.s32 $0xFFFFE000  }
0x38: {  	_ =	swait.ge [sflag:s24], $0x2000  }
0x39: {  	[sflag:s24] =	ssyncset.done $0x0  }
0x3a: {  	[sflag:s24] =	ssyncadd.s32 $0xFFFFE000  }
0x3b: {  	_ =	swait.ge [sflag:s24], $0x2000  }
0x3c: {  	[sflag:s24] =	ssyncset.done $0x0  }
0x3d: {  	s29 =	simm.s32 $0x440;
	[sflag:s24] =	ssyncadd.s32 $0xFFFFE000  }
0x3e: {  	v1 =	vld [tilespmem:s29+$0xFFFFFFC0];
	_ =	sdelay $0x1  }
0x3f: {  	v4 =	vld [tilespmem:s29+$0xFFFFFFD0]  }
0x40: {  	v6 =	vld [tilespmem:s29+$0xFFFFFFE0]  }
0x41: {  	v2 =	vld [tilespmem:s29+$0x0]  }
0x42: {  	v0 =	vld [tilespmem:s29+$0x10];
	v5 =	vmul.f32 $8.000000000e+00, v1  }
0x43: {  	v3 =	vld [tilespmem:s29+$0x20]  }
0x44: {  	v1 =	vld [tilespmem:s29+$0x30];
	[tilespmem:s29+$0xFFFFFFC0] =	vst v5;
	v5 =	vmul.f32 $8.000000000e+00, v4  }
0x45: {  	s30 =	simm.s32 $0x0;
	s31 =	simm.s32 $0x4C0;
	v6 =	vmul.f32 $8.000000000e+00, v6;
	v4 =	vld [tilespmem:s29+$0xFFFFFFF0]  }
.LBB2_3:
0x46: {  	v7 =	vld [tilespmem:s31+$0xFFFFFFC0];
	[tilespmem:s29+$0xFFFFFFD0] =	vst v5;
	v2 =	vmul.f32 $8.000000000e+00, v2  }
0x47: {  	s30 =	sadd.s32 $0x2, s30;
	v5 =	vld [tilespmem:s31+$0xFFFFFFD0];
	[tilespmem:s29+$0xFFFFFFE0] =	vst v6;
	v0 =	vmul.f32 $8.000000000e+00, v0  }
0x48: {  	p0 =	slt.u32 s30, $0x3FE;
	v6 =	vld [tilespmem:s31+$0xFFFFFFE0];
	[tilespmem:s29+$0x0] =	vst v2;
	v3 =	vmul.f32 $8.000000000e+00, v3  }
.Ltmp0:
0x49: {  	v2 =	vld [tilespmem:s31+$0x0];
	[tilespmem:s29+$0x10] =	vst v0;
	v1 =	vmul.f32 $8.000000000e+00, v1;
	(pc) =	sbr.rel @p0 .LBB2_3-.Ltmp0, $4  }
0x4a: {  	v0 =	vld [tilespmem:s31+$0x10];
	v4 =	vmul.f32 $8.000000000e+00, v4;
	[tilespmem:s29+$0x20] =	vst v3  }
0x4b: {  	v7 =	vmul.f32 $8.000000000e+00, v7;
	v3 =	vld [tilespmem:s31+$0x20];
	[tilespmem:s29+$0x30] =	vst v1  }
0x4c: {  	v5 =	vmul.f32 $8.000000000e+00, v5;
	v1 =	vld [tilespmem:s31+$0x30];
	[tilespmem:s29+$0xFFFFFFF0] =	vst v4;
	s29 =	smov.u32 s31  }
0x4d: {  	s31 =	sadd.s32 $0x80, s31;
	[tilespmem:s29+$0xFFFFFFC0] =	vst v7;
	v6 =	vmul.f32 $8.000000000e+00, v6;
	v4 =	vld [tilespmem:s29+$0xFFFFFFF0]  }
0x4e: {  	[tilespmem:s29+$0xFFFFFFD0] =	vst v5;
	v2 =	vmul.f32 $8.000000000e+00, v2  }
0x4f: {  	[tilespmem:s29+$0xFFFFFFE0] =	vst v6;
	v0 =	vmul.f32 $8.000000000e+00, v0  }
0x50: {  	[tilespmem:s29+$0x0] =	vst v2;
	v61 =	vmul.f32 $8.000000000e+00, v3  }
0x51: {  	[tilespmem:s29+$0x10] =	vst v0;
	v62 =	vmul.f32 $8.000000000e+00, v1  }
0x52: {  	s26 =	sadd.s32 $0x1, s26;
	v63 =	vmul.f32 $8.000000000e+00, v4;
	[tilespmem:s29+$0x20] =	vst v61  }
0x53: {  	s28 =	sshll.u32 s28, $0x3;
	p0 =	sne.s32 s26, $0x19;
	[tilespmem:s29+$0x30] =	vst v62  }
.Ltmp1:
0x54: {  	s28 =	sadd.s32 s1, s28;
	[tilespmem:s29+$0xFFFFFFF0] =	vst v63;
	(pc) =	sbr.rel @p0 .LBB2_2-.Ltmp1, $4  }
0x55: {  	[hbm4b:s28+s3] =	stream.linear.scatter [tilespmem:s10], [sflag:$0x2], $0x10000, $0x38;
	[tilespmem:$0x10400] =	vst v63  }
0x56: {  	_ =	swait.ge [sflag:s8], $0x10000  }
0x57: {  	[sflag:s8] =	ssyncset.done $0x0  }
0x58: {  	[sflag:s8] =	ssyncadd.s32 $0xFFFF0000  }
0x59: {  	s25 =	sadd.s32 $0x1, s25  }
0x5a: {  	p0 =	sne.s32 s25, s7  }
.Ltmp2:
0x5b: {  	_ = 	snop;
	(pc) =	sbr.rel @p0 .LBB2_1-.Ltmp2, $1  }
0x5c: {  	_ =	sdelay $0x3  }
0x5d: {  	_ =	sfence.sel $0x180000  }
0x5e: {  	[bflag:$0x0] =	sbarrier.arrive $0xFFFF  }
0x5f: {  	p0 =	sne.s32 s2, $0x0;
	_ =	strace $0x90000047  }
0x60: {  	s0 =	sadd.s32 @!p0 $0x100000, s0;
	[bflag:$0x2] =	sbarrier.arrive $0xFFFF  }
0x61: {  	[sflag:s0] =	ssyncadd.tile.s32 @!p0 $0x1;
	_ =	shalt  }
.Lfunc_end2:
_tile_overlayer_lowered:
.L_overlay_start_2:
0x62: {  	(tag) =	ssettag $0x2  }
0x63: {  	s0 =	rddreg [dreg:$0x0];
	s2 =	stileid.u32  }
0x64: {  	s1 =	rddreg [dreg:$0x1];
	p0 =	sne.s32 s2, $0x0  }
0x65: {  	s3 =	rddreg [dreg:$0x2];
	[bflag:$0x3] =	sbarrier.arrive $0xFFFF;
	s2 =	simm.s32 @!p0 $0x1C02  }
0x66: {  	[timem:s3], [sflag:s2] =	dma.local @!p0 [hbm:s0], s1  }
0x67: {  	s0 =	simm.s32 @!p0 $0x2  }
0x68: {  	_ =	swait.ge @!p0 [sflag:s0], s1  }
0x69: {  	s1 =	ssub.s32 @!p0 $0x0, s1;
	[sflag:s0] =	ssyncset.done @!p0 $0x0  }
0x6a: {  	[sflag:s0] =	ssyncadd.s32 @!p0 s1  }
0x6b: {  	[bflag:$0x3] =	sbarrier.arrive $0xFFFF  }
0x6c: {  	_ =	shalt  }

// kernel: sparse-core-data-format-call.cloned.1.call-start
scs
called_computation_lowered:
.L_overlay_start_0:
0x0: {  	s2 =	sld [smem:$0x3FD9]  }
0x1: {  	s3 =	sld [smem:$0x3FFE];
	_ =	sdelay $0x1  }
0x2: {  	s1 =	srdreg.scid  }
0x3: {  	s0 =	sand.u32 $0x1, s1  }
0x4: {  	s18 =	sshll.u32 s0, $0xA;
	s2 =	sadd.s32 s3, s2  }
0x5: {  	s2 =	sadd.s32 s2, s18  }
0x6: {  	[smem:$0x3FC6] =	sst s2  }
0x7: {  	_ = 	snop  }
0x8: {  	s2 =	sld [smem:$0x3FD0];
	(tm) =	ssettm $0x1  }
0x9: {  	s19 =	sld [smem:$0x3FFB];
	_ =	sdelay $0x3  }
0xa: {  	_ =	strace s19  }
0xb: {  	s3 =	sld [smem:$0x3FFC];
	_ =	sdelay $0x3  }
0xc: {  	_ =	strace s3  }
0xd: {  	s3 =	sld [smem:$0x3FFD];
	_ =	sdelay $0x3  }
0xe: {  	_ =	strace s3  }
0xf: {  	_ =	strace $0x8FFFFFFF  }
0x10: {  	s20 =	sld [smem:$0x3FDB];
	_ =	sdelay $0x1  }
0x11: {  	s4 =	simm.s32 $_scs_section_size  }
0x12: {  	s5 =	simm.s32 $_size__tile_overlayer_lowered;
	s6 =	simm.s32 $_tile_overlayer_lowered  }
0x13: {  	s23 =	simm.s32 $0x1BFF;
	s22 =	sshll.u32 s6, $0x1;
	s3 =	sadd.s32 s4, s20  }
0x14: {  	s7 =	simm.s32 $0x0;
	s21 =	sshll.u32 s5, $0x1;
	s5 =	sadd.s32 s22, s3  }
0x15: {  	[timem:s7], [sflag:s23] =	dma.local [hbm:s5], s21  }
0x16: {  	_ =	swait.ge [sflag:s23], s21  }
0x17: {  	s4 =	ssub.s32 $0x0, s21;
	[sflag:s23] =	ssyncset.done $0x0  }
0x18: {  	[sflag:s23] =	ssyncadd.s32 s4;
	_ =	sdelay $0x1  }
0x19: {  	s24 =	simm.s32 $0x1B8B  }
0x1a: {  	_ =	swait.ge [sflag:s24], $0x1  }
0x1b: {  	[sflag:s24] =	ssyncset.done $0x0  }
0x1c: {  	s26 =	simm.s32 $0x1B8E;
	s25 =	sld [smem:$0x3FFE];
	[sflag:s24] =	ssyncadd.s32 $0xFFFFFFFF  }
0x1d: {  	s27 =	simm.s32 $execute0_lowered;
	[smem:$0x3FD2] =	sst s26  }
0x1e: {  	s5 =	sshll.u32 s27, $0x1;
	_ =	strace $0x80000049;
	[dreg:$0x1] =	wrdreg $0xFFFFFFFF  }
0x1f: {  	s28 =	simm.s32 $_size_execute0_lowered;
	s3 =	sadd.s32 s3, s5;
	[dreg:$0x0] =	wrdreg $0x0  }
0x20: {  	s5 =	sshll.u32 s28, $0x1;
	[dreg:$0x2] =	wrdreg s3  }
0x21: {  	[dreg:$0x3] =	wrdreg s5  }
0x22: {  	[dreg:$0x4] =	wrdreg $0xC0  }
0x23: {  	_ =	task [dreg:s7], $0x5FFFF  }
0x24: {  	[dreg:$0x1] =	wrdreg $0xFFFFFFFF  }
0x25: {  	[dreg:$0x0] =	wrdreg $0x60  }
0x26: {  	[dreg:$0x2] =	wrdreg s25  }
0x27: {  	[dreg:$0x3] =	wrdreg s2  }
0x28: {  	[dreg:$0x4] =	wrdreg $0x9  }
0x29: {  	_ =	task.clear_ibuf [dreg:s7], $0x5FFFF;
	_ =	strace $0x90000049  }
0x2a: {  	s29 =	simm.s32 $0x9;
	_ =	strace $0x8000004B  }
0x2b: {  	_ =	swait.ge [sflag:s29], $0x1  }
0x2c: {  	[sflag:s29] =	ssyncadd.s32 $0xFFFFFFFF  }
0x2d: {  	_ =	strace $0x9000004B  }
0x2e: {  	_ =	sfence  }
0x2f: {  	s30 =	sld [smem:$0x0];
	_ =	sdelay $0x2  }
0x30: {  	s31 =	sshll.u32 s1, $0xD;
	s1 =	sshrl.u32 s1, $0x2  }
0x31: {  	s3 =	sand.u32 $0x4000, s31;
	s1 =	sadd.s32 s1, s30  }
0x32: {  	s0 =	sor.u32 s3, s0;
	s1 =	sshll.u32 s1, $0x11  }
0x33: {  	s0 =	sor.u32 s1, s0  }
0x34: {  	s0 =	sadd.s32 $0x8F2B, s0  }
0x35: {  	[sflag:s0] =	ssyncadd.remote.s32 $0x1  }
0x36: {  	_ =	sfence.sel $0xFFFF  }
0x37: {  	[dreg:$0x0] =	wrdreg $0xFFFFFFFF;
	(pc) =	sbr.abs _section_cstart, $3  }
0x38: {  	[dreg:$0x1] =	wrdreg $0xFFFFFFFF  }
0x39: {  	_ =	task.clear_ibuf [dreg:s7], $0x2FFFF;
	_ =	strace $0x9FFFFFFF  }
0x3a: {  	(tm) =	ssettm $0x7FFFFFFF  }
0x3b: {  	_ =	shalt  }
tec
execute0_lowered:
.L_overlay_start_1:
0x0: {  	(tag) =	ssettag $0x1  }
0x1: {  	s0 =	srdreg.scid  }
0x2: {  	s1 =	sshll.u32 s0, $0x4  }
0x3: {  	s0 =	stileid.u32;
	s1 =	sand.u32 $0x10, s1  }
0x4: {  	s1 =	sor.u32 s0, s1  }
0x5: {  	s6 =	rddreg [dreg:$0x0];
	s4 =	simm.s32 $0x1;
	s2 =	sshll.u32 s1, $0x7  }
0x6: {  	s7 =	simm.s32 $0x2;
	s12 =	simm.s32 $0x0;
	s1 =	ssub.s32 $0x1000, s2  }
0x7: {  	s8 =	simm.s32 $0x8000;
	s13 =	simm.s32 $0x0;
	s3 =	sand.u32 $0xF80, s1  }
0x8: {  	s9 =	simm.s32 $0x0;
	s5 =	sshrl.u32 s1, $0xC;
	p0 =	sne.s32 s3, $0x0  }
.Ltmp0:
0x9: {  	s1 =	rddreg [dreg:$0x2];
	s4 =	simm.s32 @!p0 $0x0;
	(pc) =	sbr.rel .LBB1_1-.Ltmp0, $4  }
0xa: {  	s11 =	simm.s32 $0x0;
	s3 =	rddreg [dreg:$0x1];
	s5 =	sadd.s32 s4, s5  }
0xb: {  	_ =	strace $0x8000004A;
	s4 =	simm.s32 $0x1;
	s5 =	smul.u32 $0xC8, s5  }
0xc: {  	s6 =	sadd.s32 $0xA00, s6;
	s10 =	smov.u32 s2;
	[sflag:s4] =	ssyncpa.u1 $0x0  }
0xd: {  	p0 =	por $0x0, $0x0;
	[sflag:s7] =	ssyncpa.u1 $0x0;
	s7 =	sor.u32 $0x1, s5  }
.LBB1_4:
0xe: {  	s16 =	sshll.u32 s13, $0x3;
	s17 =	sand.u32 $0x78, s13  }
0xf: {  	s30 =	sand.u32 $0x7E00, s13;
	s12 =	sshll.u32 s12, $0xF;
	s16 =	sand.u32 $0xC00, s16  }
0x10: {  	[tilespmem:s15+$0x810 ss:$0x81] =	vst.msk $0xffff, v2;
	s31 =	sand.u32 $0x7, s13;
	s16 =	sor.u32 s17, s16;
	s17 =	sadd.s32 s3, s30  }
0x11: {  	[tilespmem:s15+$0x1020 ss:$0x81] =	vst.msk $0xffff, v0;
	s13 =	sshll.u32 s31, $0x12;
	s12 =	sadd.s32 s12, s17;
	s16 =	sshrl.u32 s16, $0x3  }
0x12: {  	[tilespmem:s15+$0x0 ss:$0x81] =	vst.msk $0xffff, v1;
	s13 =	sor.u32 $0x400, s13;
	s12 =	sadd.s32 s16, s12  }
0x13: {  	[hbm4b:s12+s13] =	stream.strided.scatter [tilespmem:s14], [sflag:$0x2], $0x2000, s8, s13, $0x20;
	[tilespmem:$0x8080] =	vst v63  }
.LBB1_5:
0x14: {  	s14 =	sadd.s32 $0x1, s9  }
0x15: {  	s12 =	sadd.s32 $0x1000, s10;
	s16 =	smov.u32 s10;
	p2 =	sgt.s32 s14, $0xC7  }
0x16: {  	s16 =	smov.u32 @p2 s12  }
0x17: {  	s14 =	simm.s32 @p2 $0x0;
	p2 =	sgt.s32 s16, $0xFFF  }
0x18: {  	s16 =	smov.u32 @p2 s2;
	p2 =	sne.s32 s11, s7  }
.Ltmp1:
0x19: {  	p1 =	slt.u32 s11, $0x2;
	(pc) =	sbr.rel @!p2 .LBB1_6-.Ltmp1, $4  }
0x1a: {  	s15 =	simm.s32 @!p1 $0x2  }
0x1b: {  	s13 =	smov.u32 s10;
	p0 =	por !p0, !p0;
	_ =	swait.ge @!p1 [sflag:s15], $0x2000  }
0x1c: {  	s12 =	smov.u32 s9;
	[sflag:s15] =	ssyncset.done @!p1 $0x0;
	s9 =	smov.u32 s14  }
0x1d: {  	s11 =	sadd.s32 $0x1, s11;
	[sflag:s15] =	ssyncadd.s32 @!p1 $0xFFFFE000;
	s10 =	smov.u32 s16  }
.LBB1_1:
0x1e: {  	p1 =	sge.u32 s11, s5  }
0x1f: {  	s14 =	sand.u32 @!p1 $0x1FFFFFF, s9  }
0x20: {  	s15 =	smulhi.u32 @!p1 $0x147AE15, s14;
	_ =	sdelay $0x1  }
0x21: {  	s15 =	smul.u32 @!p1 $0xC8, s15  }
0x22: {  	s16 =	sxor.u32 @!p1 $0xFFFFFFFF, s11;
	s17 =	smul.u32 @!p1 $0xC80, s10  }
0x23: {  	s31 =	sadd.s32 $0xFFFFFFFF, s11;
	s16 =	sshll.u32 @!p1 s16, $0xD;
	s14 =	ssub.s32 @!p1 s14, s15  }
0x24: {  	s15 =	sand.u32 @!p1 $0x2000, s16;
	s16 =	sadd.s32 @!p1 s6, s17;
	s14 =	sshll.u32 @!p1 s14, $0x4  }
0x25: {  	s17 =	simm.s32 @!p1 $0x6400;
	s14 =	sadd.s32 @!p1 s14, s16;
	s16 =	simm.s32 @!p1 $0x40  }
0x26: {  	[tilespmem:s15], [sflag:$0x1] =	stream.strided.gather @!p1 [hbm4b:s14+s16], $0x2000, s17, s16, $0x38;
	[tilespmem:$0x8080] =	vst v63  }
0x27: {  	p1 =	sge.u32 s31, s5  }
.Ltmp2:
0x28: {  	_ = 	snop;
	(pc) =	sbr.rel @p1 .LBB1_5-.Ltmp2, $1  }
0x29: {  	_ =	sdelay $0x3  }
0x2a: {  	s14 =	simm.s32 $0x1  }
0x2b: {  	_ =	swait.ge [sflag:s4], $0x2000;
	s14 =	simm.s32 @!p0 $0x0  }
0x2c: {  	[sflag:s4] =	ssyncset.done $0x0;
	s15 =	sshll.u32 s14, $0xD  }
0x2d: {  	[sflag:s4] =	ssyncadd.s32 $0xFFFFE000;
	s18 =	sor.u32 $0x20, s15  }
0x2e: {  	s14 =	smul.u32 $0x8100, s14;
	v3 =	vld [tilespmem:s18+$0x10]  }
0x2f: {  	s30 =	sand.u32 $0x1, s11;
	v2 =	vld [tilespmem:s18+$0xFFFFFFF0]  }
0x30: {  	s15 =	smul.u32 $0x8100, s30;
	s14 =	sshrl.u32 s14, $0x2;
	v0 =	vld [tilespmem:s18+$0x0]  }
0x31: {  	v1 =	vld [tilespmem:s18+$0xFFFFFFE0];
	s16 =	sor.u32 $0x4000, s14  }
0x32: {  	s31 =	sshrl.u32 s15, $0x2;
	s15 =	sadd.s32 $0x0, s16  }
0x33: {  	s17 =	simm.s32 $0x4;
	s18 =	sadd.s32 $0x40, s18;
	s14 =	sor.u32 $0x4000, s31;
	[tilespmem:s15+$0x1830 ss:$0x81] =	vst.msk $0xffff, v3  }
.LBB1_3:
0x34: {  	v3 =	vld [tilespmem:s18+$0x10];
	p1 =	sne.s32 s17, $0x1FC;
	[tilespmem:s15+$0x810 ss:$0x81] =	vst.msk $0xffff, v2;
	s19 =	smov.u32 s17;
	s17 =	sadd.s32 $0x4, s17  }
.Ltmp3:
0x35: {  	v2 =	vld [tilespmem:s18+$0xFFFFFFF0];
	[tilespmem:s15+$0x1020 ss:$0x81] =	vst.msk $0xffff, v0;
	(pc) =	sbr.rel @p1 .LBB1_3-.Ltmp3, $4  }
0x36: {  	v0 =	vld [tilespmem:s18+$0x0];
	[tilespmem:s15+$0x0 ss:$0x81] =	vst.msk $0xffff, v1  }
0x37: {  	s15 =	sshra.s32 s19, $0x2;
	v1 =	vld [tilespmem:s18+$0xFFFFFFE0]  }
0x38: {  	s15 =	sadd.s32 s15, s16  }
0x39: {  	s18 =	sadd.s32 $0x40, s18;
	[tilespmem:s15+$0x1830 ss:$0x81] =	vst.msk $0xffff, v3  }
.Ltmp4:
0x3a: {  	_ = 	snop;
	(pc) =	sbr.rel .LBB1_4-.Ltmp4, $1  }
0x3b: {  	_ =	sdelay $0x3  }
.LBB1_6:
0x3c: {  	_ =	sfence.sel $0x180000  }
0x3d: {  	s2 =	simm.s32 $0x1;
	[bflag:$0x0] =	sbarrier.arrive $0xFFFF  }
0x3e: {  	s31 =	simm.s32 $0x2;
	[sflag:s2] =	ssyncpa.u1 $0x1  }
0x3f: {  	[sflag:s31] =	ssyncpa.u1 $0x1  }
0x40: {  	p0 =	sne.s32 s0, $0x0;
	_ =	strace $0x9000004A  }
0x41: {  	s0 =	sadd.s32 @!p0 $0x100000, s1;
	[bflag:$0x2] =	sbarrier.arrive $0xFFFF  }
0x42: {  	[sflag:s0] =	ssyncadd.tile.s32 @!p0 $0x1;
	_ =	shalt  }
.Lfunc_end1:
_tile_overlayer_lowered:
.L_overlay_start_2:
0x43: {  	(tag) =	ssettag $0x2  }
0x44: {  	s0 =	rddreg [dreg:$0x0];
	s2 =	stileid.u32  }
0x45: {  	s1 =	rddreg [dreg:$0x1];
	p0 =	sne.s32 s2, $0x0  }
0x46: {  	s3 =	rddreg [dreg:$0x2];
	[bflag:$0x3] =	sbarrier.arrive $0xFFFF;
	s2 =	simm.s32 @!p0 $0x1C01  }
0x47: {  	[timem:s3], [sflag:s2] =	dma.local @!p0 [hbm:s0], s1  }
0x48: {  	s0 =	simm.s32 @!p0 $0x1  }
0x49: {  	_ =	swait.ge @!p0 [sflag:s0], s1  }
0x4a: {  	s1 =	ssub.s32 @!p0 $0x0, s1;
	[sflag:s0] =	ssyncset.done @!p0 $0x0  }
0x4b: {  	[sflag:s0] =	ssyncadd.s32 @!p0 s1  }
0x4c: {  	[bflag:$0x3] =	sbarrier.arrive $0xFFFF  }
0x4d: {  	_ =	shalt  }

</sc_bundles>
